<compile_context>
chip_gen: v7x
topology: tpu7x:2x2x1
jax: 0.10.2.dev20260603
libtpu: 0.0.44.dev20260713+nightly
codegen_flags: <defaults>
</compile_context>

<pallas_src>
import functools

import jax
import jax.numpy as jnp
from jax import lax
from jax.experimental import pallas as pl
from jax.experimental.pallas import tpu as pltpu
from jax.experimental.pallas import tpu_sc as plsc

_NC, _NS, _L = 2, 16, 16
_NW = _NC * _NS


@functools.cache
def _tc_flatten(ld, v, vp, blkv):
    def body(in_ref, o_ref):
        o_ref[...] = in_ref[...]

    return pl.pallas_call(
        body,
        grid=(vp // blkv,),
        in_specs=[pl.BlockSpec((ld, blkv), lambda i: (0, i))],
        out_specs=pl.BlockSpec((ld, blkv), lambda i: (0, i)),
        out_shape=jax.ShapeDtypeStruct((ld, vp), jnp.float32),
    )


@functools.cache
def _tc_wflatten(v, d, blkv):
    def body(in_ref, o_ref):
        t = in_ref[...].T
        o_ref[...] = jnp.concatenate([t, t], axis=1)

    nblk = -(-v // blkv)
    return pl.pallas_call(
        body,
        grid=(nblk,),
        in_specs=[pl.BlockSpec((d, blkv), lambda i: (0, i))],
        out_specs=pl.BlockSpec((blkv, 2 * d), lambda i: (i, 0)),
        out_shape=jax.ShapeDtypeStruct((v, 2 * d), jnp.float32),
    )


@functools.cache
def _sc_gather(b, v, d, ld, vp):
    b_per_w = b // _NW
    e_per_w = b_per_w * ld
    d2 = 2 * d
    mesh = plsc.VectorSubcoreMesh(
        core_axis_name="c", subcore_axis_name="s",
        num_cores=_NC, num_subcores=_NS)

    @functools.partial(
        pl.kernel,
        out_type=[
            jax.ShapeDtypeStruct((b, d2), jnp.float32),
            jax.ShapeDtypeStruct((b * ld,), jnp.float32),
        ],
        mesh=mesh,
        scratch_types=[
            pltpu.VMEM((b_per_w,), jnp.int32),
            pltpu.VMEM((b_per_w, d2), jnp.float32),
            pltpu.VMEM((e_per_w,), jnp.int32),
            pltpu.VMEM((e_per_w,), jnp.float32),
            pltpu.SemaphoreType.DMA,
            pltpu.SemaphoreType.DMA,
        ],
        compiler_params=pltpu.CompilerParams(use_tc_tiling_on_sc=False),
    )
    def gather_kernel(w128_hbm, lflat_hbm, idx_hbm, rows_out, a_out,
                      idx_v, rows_v, eidx_v, a_v, sem_w, sem_a):
        wid = lax.axis_index("s") * _NC + lax.axis_index("c")
        base = wid * b_per_w
        pltpu.sync_copy(idx_hbm.at[pl.ds(base, b_per_w)], idx_v)
        cp_w = pltpu.async_copy(w128_hbm.at[idx_v], rows_v, sem_w)

        def jb_body(jb, carry):
            blk = idx_v[pl.ds(jb * _L, _L)]
            for r in range(ld):
                eidx_v[pl.ds(r * b_per_w + jb * _L, _L)] = blk + r * vp
            return carry

        lax.fori_loop(0, b_per_w // _L, jb_body, 0)

        cp_a = pltpu.async_copy(lflat_hbm.at[eidx_v], a_v, sem_a)
        cp_w.wait()
        pltpu.sync_copy(rows_v, rows_out.at[pl.ds(base, b_per_w)])
        cp_a.wait()
        pltpu.sync_copy(a_v, a_out.at[pl.ds(wid * e_per_w, e_per_w)])

    return gather_kernel


@functools.cache
def _tc_epilogue(b, d, ld, b_per_w):
    scale = 1.0 / ld

    def body(rows_ref, a_ref, right_ref, o_ref):
        sel = rows_ref[:, :d]
        lora = lax.dot_general(
            a_ref[0], right_ref[...],
            (((0,), (1,)), ((), ())),
            preferred_element_type=jnp.float32)
        o_ref[...] = sel + lora * scale

    return pl.pallas_call(
        body,
        grid=(b // b_per_w,),
        in_specs=[
            pl.BlockSpec((b_per_w, 2 * d), lambda i: (i, 0)),
            pl.BlockSpec((1, ld, b_per_w), lambda i: (i, 0, 0)),
            pl.BlockSpec((d, ld), lambda i: (0, 0)),
        ],
        out_specs=pl.BlockSpec((b_per_w, d), lambda i: (i, 0)),
        out_shape=jax.ShapeDtypeStruct((b, d), jnp.float32),
    )


def kernel(input_, weight, lora_left_weight, lora_right_weight):
    b = input_.shape[0]
    v, d = weight.shape
    ld = lora_left_weight.shape[0]
    b_per_w = b // _NW
    vp = 1 << (v - 1).bit_length()
    w128 = _tc_wflatten(v, d, 16384)(weight.T)
    lflat = _tc_flatten(ld, v, vp, vp // 16)(lora_left_weight).reshape(-1)
    rows2, a_flat = _sc_gather(b, v, d, ld, vp)(w128, lflat, input_)
    a_t = a_flat.reshape(_NW, ld, b_per_w)
    return _tc_epilogue(b, d, ld, b_per_w)(rows2, a_t, lora_right_weight)

# --- scband reference (transcript-rebuilt; emitter-appended) ---
"""Pipeline reference for scband-vocab-parallel-embedding-lo-ra-10651518894966 (READ-ONLY COPY).

The authoritative reference and input builder live on the scoring server;
editing this copy changes nothing except your own understanding.
"""

import jax, jax.numpy as jnp
import numpy as np

VOCAB = 1000000
EMBED_DIM = 64
LORA_DIM = 16
BATCH = 16384
LORA_SCALING = 1.0 / LORA_DIM  # lora_scaling=1 divided by lora_dim


def setup_inputs(seed: int = 0) -> dict:
    key = jax.random.key(seed)
    k1, k2, k3, k4 = jax.random.split(key, 4)
    input_ = jax.random.randint(k1, (BATCH,), 0, VOCAB, dtype=jnp.int32)
    # frozen base embedding table (weight.requires_grad = False in the module)
    weight = jax.random.normal(k2, (VOCAB, EMBED_DIM), dtype=jnp.float32) * 0.02
    # lora_left_weight: [lora_dim, rows(vocab)]  (zeros at init in the module; use
    # small random values here so the LoRA path contributes nontrivially)
    lora_left_weight = jax.random.normal(k3, (LORA_DIM, VOCAB), dtype=jnp.float32) * 0.01
    # lora_right_weight: [columns(embed_dim), lora_dim] (kaiming-uniform in module)
    bound = 1.0 / np.sqrt(EMBED_DIM)
    lora_right_weight = jax.random.uniform(k4, (EMBED_DIM, LORA_DIM), dtype=jnp.float32, minval=-bound, maxval=bound)
    return {
        "input_": input_,
        "weight": weight,
        "lora_left_weight": lora_left_weight,
        "lora_right_weight": lora_right_weight,
    }


def reference(input_, weight, lora_left_weight, lora_right_weight):
    # tensor_model_parallel_size == 1 -> masked_input = input_
    # base embedding lookup (gather)
    output_parallel = jnp.take(weight, input_, axis=0)  # [B, embed_dim]
    # LoRA path (fuse_lora == False): embedding into lora_left_weight.T then matmul
    after_A = jnp.take(lora_left_weight.T, input_, axis=0)  # [B, lora_dim]
    output_parallel = output_parallel + (after_A @ lora_right_weight.T) * LORA_SCALING
    # reduce_from_tensor_model_parallel_region is identity with world_size == 1
    return output_parallel

if __name__ == "__main__":
    import jax
    _d = setup_inputs()
    print(jax.jit(kernel)(*tuple(_d.values())))

</pallas_src>

<mosaic_0001>
#map = affine_map<(d0, d1) -> (0, 0)>
#map1 = affine_map<(d0, d1) -> (0)>
module attributes {stable_mosaic.version = 14 : i64} {
  func.func @gather_kernel(%arg0: i32, %arg1: i32, %arg2: memref<1000000x128xf32, #tpu.memory_space<hbm>>, %arg3: memref<16777216xf32, #tpu.memory_space<hbm>>, %arg4: memref<16384xi32, #tpu.memory_space<hbm>>, %arg5: memref<16384x128xf32, #tpu.memory_space<hbm>>, %arg6: memref<262144xf32, #tpu.memory_space<hbm>>, %arg7: memref<512xi32, #tpu.memory_space<vmem>>, %arg8: memref<512x128xf32, #tpu.memory_space<vmem>>, %arg9: memref<8192xi32, #tpu.memory_space<vmem>>, %arg10: memref<8192xf32, #tpu.memory_space<vmem>>, %arg11: memref<!tpu.dma_semaphore, #tpu.memory_space<semaphore_mem>>, %arg12: memref<!tpu.dma_semaphore, #tpu.memory_space<semaphore_mem>>) attributes {dimension_semantics = [#tpu.dimension_semantics<core_parallel>, #tpu.dimension_semantics<subcore_parallel>], iteration_bounds = array<i64: 2, 16>, scalar_prefetch = 0 : i64, scratch_operands = 6 : i64, tpu.core_type = #tpu.core_type<sc_vector_subcore>, window_params = [{transform_indices = #map}, {transform_indices = #map1}, {transform_indices = #map1}, {transform_indices = #map}, {transform_indices = #map1}]} {
    %mul3A = arith.constant 2 : i32
    %mul3A_0 = arith.muli %arg1, %mul3A : i32
    %add3A = arith.addi %mul3A_0, %arg0 : i32
    %mul3A_1 = arith.constant 512 : i32
    %mul3A_2 = arith.muli %add3A, %mul3A_1 : i32
    "tpu.region"() ({
      %run_scoped3A = tpu.sem_alloc : memref<!tpu.dma_semaphore, #tpu.memory_space<semaphore_mem>>
      %dma_start3A_18 = tpu.memref_slice %arg4[%mul3A_2] : memref<16384xi32, #tpu.memory_space<hbm>> -> memref<512xi32, #tpu.memory_space<hbm>>
      %dma_start3A_19 = tpu.memref_slice %arg4[%mul3A_2] : memref<16384xi32, #tpu.memory_space<hbm>> -> memref<512xi32, #tpu.memory_space<hbm>>
      tpu.enqueue_dma source(%dma_start3A_19 : memref<512xi32, #tpu.memory_space<hbm>>) target(%arg7 : memref<512xi32, #tpu.memory_space<vmem>>) target_semaphore(%run_scoped3A : memref<!tpu.dma_semaphore, #tpu.memory_space<semaphore_mem>>)
      %dma_wait3A_20 = tpu.memref_slice %arg4[%mul3A_2] : memref<16384xi32, #tpu.memory_space<hbm>> -> memref<512xi32, #tpu.memory_space<hbm>>
      %dma_wait3A_21 = tpu.memref_slice %arg4[%mul3A_2] : memref<16384xi32, #tpu.memory_space<hbm>> -> memref<512xi32, #tpu.memory_space<hbm>>
      tpu.wait_dma2 semaphore(%run_scoped3A : memref<!tpu.dma_semaphore, #tpu.memory_space<semaphore_mem>>) src(%dma_wait3A_21 : memref<512xi32, #tpu.memory_space<hbm>>) dst(%arg7 : memref<512xi32, #tpu.memory_space<vmem>>)
      tpu.yield
    }) : () -> ()
    %dma_start3A = arith.constant 0 : i32
    %dma_start3A_3 = arith.constant 0 : i32
    %dma_start3A_4 = tpu.memref_slice %arg2[%dma_start3A, %dma_start3A_3] : memref<1000000x128xf32, #tpu.memory_space<hbm>> -> memref<1000000x128xf32, #tpu.memory_space<hbm>>
    tpu.enqueue_indirect_dma source(%dma_start3A_4 : memref<1000000x128xf32, #tpu.memory_space<hbm>>) target(%arg8 : memref<512x128xf32, #tpu.memory_space<vmem>>) offsets(%arg7 : memref<512xi32, #tpu.memory_space<vmem>>) semaphore(%arg11 : memref<!tpu.dma_semaphore, #tpu.memory_space<semaphore_mem>>)
    %scan3A = arith.constant 0 : i32
    %scan3A_5 = arith.constant 0 : i32
    %scan3A_6 = arith.constant 32 : i32
    %scan3A_7 = arith.addi %scan3A_5, %scan3A_6 : i32
    %scan3A_8 = arith.constant 1 : i32
    scf.for %scan3A_18 = %scan3A_5 to %scan3A_7 step %scan3A_8  : i32 {
      %mul3A_19 = arith.constant 16 : i32
      %mul3A_20 = arith.muli %scan3A_18, %mul3A_19 : i32
      %get3A = arith.index_cast %mul3A_20 : i32 to index
      %get3A_21 = tpu.vector_load %arg7[%get3A] {strides = array<i32>} : memref<512xi32, #tpu.memory_space<vmem>>, vector<16xi32>,
      %get3A_22 = vector.shape_cast %get3A_21 : vector<16xi32> to vector<16xi32>
      %add3A_23 = arith.constant 0 : i32
      %add3A_24 = vector.broadcast %add3A_23 : i32 to vector<16xi32>
      %add3A_25 = arith.addi %get3A_22, %add3A_24 : vector<16xi32>
      %mul3A_26 = arith.constant 16 : i32
      %mul3A_27 = arith.muli %scan3A_18, %mul3A_26 : i32
      %add3A_28 = arith.constant 0 : i32
      %add3A_29 = arith.addi %add3A_28, %mul3A_27 : i32
      %swap3A = arith.index_cast %add3A_29 : i32 to index
      %swap3A_30 = tpu.vector_load %arg9[%swap3A] {strides = array<i32>} : memref<8192xi32, #tpu.memory_space<vmem>>, vector<16xi32>,
      %swap3A_31 = vector.shape_cast %swap3A_30 : vector<16xi32> to vector<16xi32>
      %swap3A_32 = vector.shape_cast %add3A_25 : vector<16xi32> to vector<16xi32>
      tpu.vector_store %arg9[%swap3A], %swap3A_32 {strides = array<i32>} : memref<8192xi32, #tpu.memory_space<vmem>>, vector<16xi32>,
      %add3A_33 = arith.constant 1048576 : i32
      %add3A_34 = vector.broadcast %add3A_33 : i32 to vector<16xi32>
      %add3A_35 = arith.addi %get3A_22, %add3A_34 : vector<16xi32>
      %mul3A_36 = arith.constant 16 : i32
      %mul3A_37 = arith.muli %scan3A_18, %mul3A_36 : i32
      %add3A_38 = arith.constant 512 : i32
      %add3A_39 = arith.addi %add3A_38, %mul3A_37 : i32
      %swap3A_40 = arith.index_cast %add3A_39 : i32 to index
      %swap3A_41 = tpu.vector_load %arg9[%swap3A_40] {strides = array<i32>} : memref<8192xi32, #tpu.memory_space<vmem>>, vector<16xi32>,
      %swap3A_42 = vector.shape_cast %swap3A_41 : vector<16xi32> to vector<16xi32>
      %swap3A_43 = vector.shape_cast %add3A_35 : vector<16xi32> to vector<16xi32>
      tpu.vector_store %arg9[%swap3A_40], %swap3A_43 {strides = array<i32>} : memref<8192xi32, #tpu.memory_space<vmem>>, vector<16xi32>,
      %add3A_44 = arith.constant 2097152 : i32
      %add3A_45 = vector.broadcast %add3A_44 : i32 to vector<16xi32>
      %add3A_46 = arith.addi %get3A_22, %add3A_45 : vector<16xi32>
      %mul3A_47 = arith.constant 16 : i32
      %mul3A_48 = arith.muli %scan3A_18, %mul3A_47 : i32
      %add3A_49 = arith.constant 1024 : i32
      %add3A_50 = arith.addi %add3A_49, %mul3A_48 : i32
      %swap3A_51 = arith.index_cast %add3A_50 : i32 to index
      %swap3A_52 = tpu.vector_load %arg9[%swap3A_51] {strides = array<i32>} : memref<8192xi32, #tpu.memory_space<vmem>>, vector<16xi32>,
      %swap3A_53 = vector.shape_cast %swap3A_52 : vector<16xi32> to vector<16xi32>
      %swap3A_54 = vector.shape_cast %add3A_46 : vector<16xi32> to vector<16xi32>
      tpu.vector_store %arg9[%swap3A_51], %swap3A_54 {strides = array<i32>} : memref<8192xi32, #tpu.memory_space<vmem>>, vector<16xi32>,
      %add3A_55 = arith.constant 3145728 : i32
      %add3A_56 = vector.broadcast %add3A_55 : i32 to vector<16xi32>
      %add3A_57 = arith.addi %get3A_22, %add3A_56 : vector<16xi32>
      %mul3A_58 = arith.constant 16 : i32
      %mul3A_59 = arith.muli %scan3A_18, %mul3A_58 : i32
      %add3A_60 = arith.constant 1536 : i32
      %add3A_61 = arith.addi %add3A_60, %mul3A_59 : i32
      %swap3A_62 = arith.index_cast %add3A_61 : i32 to index
      %swap3A_63 = tpu.vector_load %arg9[%swap3A_62] {strides = array<i32>} : memref<8192xi32, #tpu.memory_space<vmem>>, vector<16xi32>,
      %swap3A_64 = vector.shape_cast %swap3A_63 : vector<16xi32> to vector<16xi32>
      %swap3A_65 = vector.shape_cast %add3A_57 : vector<16xi32> to vector<16xi32>
      tpu.vector_store %arg9[%swap3A_62], %swap3A_65 {strides = array<i32>} : memref<8192xi32, #tpu.memory_space<vmem>>, vector<16xi32>,
      %add3A_66 = arith.constant 4194304 : i32
      %add3A_67 = vector.broadcast %add3A_66 : i32 to vector<16xi32>
      %add3A_68 = arith.addi %get3A_22, %add3A_67 : vector<16xi32>
      %mul3A_69 = arith.constant 16 : i32
      %mul3A_70 = arith.muli %scan3A_18, %mul3A_69 : i32
      %add3A_71 = arith.constant 2048 : i32
      %add3A_72 = arith.addi %add3A_71, %mul3A_70 : i32
      %swap3A_73 = arith.index_cast %add3A_72 : i32 to index
      %swap3A_74 = tpu.vector_load %arg9[%swap3A_73] {strides = array<i32>} : memref<8192xi32, #tpu.memory_space<vmem>>, vector<16xi32>,
      %swap3A_75 = vector.shape_cast %swap3A_74 : vector<16xi32> to vector<16xi32>
      %swap3A_76 = vector.shape_cast %add3A_68 : vector<16xi32> to vector<16xi32>
      tpu.vector_store %arg9[%swap3A_73], %swap3A_76 {strides = array<i32>} : memref<8192xi32, #tpu.memory_space<vmem>>, vector<16xi32>,
      %add3A_77 = arith.constant 5242880 : i32
      %add3A_78 = vector.broadcast %add3A_77 : i32 to vector<16xi32>
      %add3A_79 = arith.addi %get3A_22, %add3A_78 : vector<16xi32>
      %mul3A_80 = arith.constant 16 : i32
      %mul3A_81 = arith.muli %scan3A_18, %mul3A_80 : i32
      %add3A_82 = arith.constant 2560 : i32
      %add3A_83 = arith.addi %add3A_82, %mul3A_81 : i32
      %swap3A_84 = arith.index_cast %add3A_83 : i32 to index
      %swap3A_85 = tpu.vector_load %arg9[%swap3A_84] {strides = array<i32>} : memref<8192xi32, #tpu.memory_space<vmem>>, vector<16xi32>,
      %swap3A_86 = vector.shape_cast %swap3A_85 : vector<16xi32> to vector<16xi32>
      %swap3A_87 = vector.shape_cast %add3A_79 : vector<16xi32> to vector<16xi32>
      tpu.vector_store %arg9[%swap3A_84], %swap3A_87 {strides = array<i32>} : memref<8192xi32, #tpu.memory_space<vmem>>, vector<16xi32>,
      %add3A_88 = arith.constant 6291456 : i32
      %add3A_89 = vector.broadcast %add3A_88 : i32 to vector<16xi32>
      %add3A_90 = arith.addi %get3A_22, %add3A_89 : vector<16xi32>
      %mul3A_91 = arith.constant 16 : i32
      %mul3A_92 = arith.muli %scan3A_18, %mul3A_91 : i32
      %add3A_93 = arith.constant 3072 : i32
      %add3A_94 = arith.addi %add3A_93, %mul3A_92 : i32
      %swap3A_95 = arith.index_cast %add3A_94 : i32 to index
      %swap3A_96 = tpu.vector_load %arg9[%swap3A_95] {strides = array<i32>} : memref<8192xi32, #tpu.memory_space<vmem>>, vector<16xi32>,
      %swap3A_97 = vector.shape_cast %swap3A_96 : vector<16xi32> to vector<16xi32>
      %swap3A_98 = vector.shape_cast %add3A_90 : vector<16xi32> to vector<16xi32>
      tpu.vector_store %arg9[%swap3A_95], %swap3A_98 {strides = array<i32>} : memref<8192xi32, #tpu.memory_space<vmem>>, vector<16xi32>,
      %add3A_99 = arith.constant 7340032 : i32
      %add3A_100 = vector.broadcast %add3A_99 : i32 to vector<16xi32>
      %add3A_101 = arith.addi %get3A_22, %add3A_100 : vector<16xi32>
      %mul3A_102 = arith.constant 16 : i32
      %mul3A_103 = arith.muli %scan3A_18, %mul3A_102 : i32
      %add3A_104 = arith.constant 3584 : i32
      %add3A_105 = arith.addi %add3A_104, %mul3A_103 : i32
      %swap3A_106 = arith.index_cast %add3A_105 : i32 to index
      %swap3A_107 = tpu.vector_load %arg9[%swap3A_106] {strides = array<i32>} : memref<8192xi32, #tpu.memory_space<vmem>>, vector<16xi32>,
      %swap3A_108 = vector.shape_cast %swap3A_107 : vector<16xi32> to vector<16xi32>
      %swap3A_109 = vector.shape_cast %add3A_101 : vector<16xi32> to vector<16xi32>
      tpu.vector_store %arg9[%swap3A_106], %swap3A_109 {strides = array<i32>} : memref<8192xi32, #tpu.memory_space<vmem>>, vector<16xi32>,
      %add3A_110 = arith.constant 8388608 : i32
      %add3A_111 = vector.broadcast %add3A_110 : i32 to vector<16xi32>
      %add3A_112 = arith.addi %get3A_22, %add3A_111 : vector<16xi32>
      %mul3A_113 = arith.constant 16 : i32
      %mul3A_114 = arith.muli %scan3A_18, %mul3A_113 : i32
      %add3A_115 = arith.constant 4096 : i32
      %add3A_116 = arith.addi %add3A_115, %mul3A_114 : i32
      %swap3A_117 = arith.index_cast %add3A_116 : i32 to index
      %swap3A_118 = tpu.vector_load %arg9[%swap3A_117] {strides = array<i32>} : memref<8192xi32, #tpu.memory_space<vmem>>, vector<16xi32>,
      %swap3A_119 = vector.shape_cast %swap3A_118 : vector<16xi32> to vector<16xi32>
      %swap3A_120 = vector.shape_cast %add3A_112 : vector<16xi32> to vector<16xi32>
      tpu.vector_store %arg9[%swap3A_117], %swap3A_120 {strides = array<i32>} : memref<8192xi32, #tpu.memory_space<vmem>>, vector<16xi32>,
      %add3A_121 = arith.constant 9437184 : i32
      %add3A_122 = vector.broadcast %add3A_121 : i32 to vector<16xi32>
      %add3A_123 = arith.addi %get3A_22, %add3A_122 : vector<16xi32>
      %mul3A_124 = arith.constant 16 : i32
      %mul3A_125 = arith.muli %scan3A_18, %mul3A_124 : i32
      %add3A_126 = arith.constant 4608 : i32
      %add3A_127 = arith.addi %add3A_126, %mul3A_125 : i32
      %swap3A_128 = arith.index_cast %add3A_127 : i32 to index
      %swap3A_129 = tpu.vector_load %arg9[%swap3A_128] {strides = array<i32>} : memref<8192xi32, #tpu.memory_space<vmem>>, vector<16xi32>,
      %swap3A_130 = vector.shape_cast %swap3A_129 : vector<16xi32> to vector<16xi32>
      %swap3A_131 = vector.shape_cast %add3A_123 : vector<16xi32> to vector<16xi32>
      tpu.vector_store %arg9[%swap3A_128], %swap3A_131 {strides = array<i32>} : memref<8192xi32, #tpu.memory_space<vmem>>, vector<16xi32>,
      %add3A_132 = arith.constant 10485760 : i32
      %add3A_133 = vector.broadcast %add3A_132 : i32 to vector<16xi32>
      %add3A_134 = arith.addi %get3A_22, %add3A_133 : vector<16xi32>
      %mul3A_135 = arith.constant 16 : i32
      %mul3A_136 = arith.muli %scan3A_18, %mul3A_135 : i32
      %add3A_137 = arith.constant 5120 : i32
      %add3A_138 = arith.addi %add3A_137, %mul3A_136 : i32
      %swap3A_139 = arith.index_cast %add3A_138 : i32 to index
      %swap3A_140 = tpu.vector_load %arg9[%swap3A_139] {strides = array<i32>} : memref<8192xi32, #tpu.memory_space<vmem>>, vector<16xi32>,
      %swap3A_141 = vector.shape_cast %swap3A_140 : vector<16xi32> to vector<16xi32>
      %swap3A_142 = vector.shape_cast %add3A_134 : vector<16xi32> to vector<16xi32>
      tpu.vector_store %arg9[%swap3A_139], %swap3A_142 {strides = array<i32>} : memref<8192xi32, #tpu.memory_space<vmem>>, vector<16xi32>,
      %add3A_143 = arith.constant 11534336 : i32
      %add3A_144 = vector.broadcast %add3A_143 : i32 to vector<16xi32>
      %add3A_145 = arith.addi %get3A_22, %add3A_144 : vector<16xi32>
      %mul3A_146 = arith.constant 16 : i32
      %mul3A_147 = arith.muli %scan3A_18, %mul3A_146 : i32
      %add3A_148 = arith.constant 5632 : i32
      %add3A_149 = arith.addi %add3A_148, %mul3A_147 : i32
      %swap3A_150 = arith.index_cast %add3A_149 : i32 to index
      %swap3A_151 = tpu.vector_load %arg9[%swap3A_150] {strides = array<i32>} : memref<8192xi32, #tpu.memory_space<vmem>>, vector<16xi32>,
      %swap3A_152 = vector.shape_cast %swap3A_151 : vector<16xi32> to vector<16xi32>
      %swap3A_153 = vector.shape_cast %add3A_145 : vector<16xi32> to vector<16xi32>
      tpu.vector_store %arg9[%swap3A_150], %swap3A_153 {strides = array<i32>} : memref<8192xi32, #tpu.memory_space<vmem>>, vector<16xi32>,
      %add3A_154 = arith.constant 12582912 : i32
      %add3A_155 = vector.broadcast %add3A_154 : i32 to vector<16xi32>
      %add3A_156 = arith.addi %get3A_22, %add3A_155 : vector<16xi32>
      %mul3A_157 = arith.constant 16 : i32
      %mul3A_158 = arith.muli %scan3A_18, %mul3A_157 : i32
      %add3A_159 = arith.constant 6144 : i32
      %add3A_160 = arith.addi %add3A_159, %mul3A_158 : i32
      %swap3A_161 = arith.index_cast %add3A_160 : i32 to index
      %swap3A_162 = tpu.vector_load %arg9[%swap3A_161] {strides = array<i32>} : memref<8192xi32, #tpu.memory_space<vmem>>, vector<16xi32>,
      %swap3A_163 = vector.shape_cast %swap3A_162 : vector<16xi32> to vector<16xi32>
      %swap3A_164 = vector.shape_cast %add3A_156 : vector<16xi32> to vector<16xi32>
      tpu.vector_store %arg9[%swap3A_161], %swap3A_164 {strides = array<i32>} : memref<8192xi32, #tpu.memory_space<vmem>>, vector<16xi32>,
      %add3A_165 = arith.constant 13631488 : i32
      %add3A_166 = vector.broadcast %add3A_165 : i32 to vector<16xi32>
      %add3A_167 = arith.addi %get3A_22, %add3A_166 : vector<16xi32>
      %mul3A_168 = arith.constant 16 : i32
      %mul3A_169 = arith.muli %scan3A_18, %mul3A_168 : i32
      %add3A_170 = arith.constant 6656 : i32
      %add3A_171 = arith.addi %add3A_170, %mul3A_169 : i32
      %swap3A_172 = arith.index_cast %add3A_171 : i32 to index
      %swap3A_173 = tpu.vector_load %arg9[%swap3A_172] {strides = array<i32>} : memref<8192xi32, #tpu.memory_space<vmem>>, vector<16xi32>,
      %swap3A_174 = vector.shape_cast %swap3A_173 : vector<16xi32> to vector<16xi32>
      %swap3A_175 = vector.shape_cast %add3A_167 : vector<16xi32> to vector<16xi32>
      tpu.vector_store %arg9[%swap3A_172], %swap3A_175 {strides = array<i32>} : memref<8192xi32, #tpu.memory_space<vmem>>, vector<16xi32>,
      %add3A_176 = arith.constant 14680064 : i32
      %add3A_177 = vector.broadcast %add3A_176 : i32 to vector<16xi32>
      %add3A_178 = arith.addi %get3A_22, %add3A_177 : vector<16xi32>
      %mul3A_179 = arith.constant 16 : i32
      %mul3A_180 = arith.muli %scan3A_18, %mul3A_179 : i32
      %add3A_181 = arith.constant 7168 : i32
      %add3A_182 = arith.addi %add3A_181, %mul3A_180 : i32
      %swap3A_183 = arith.index_cast %add3A_182 : i32 to index
      %swap3A_184 = tpu.vector_load %arg9[%swap3A_183] {strides = array<i32>} : memref<8192xi32, #tpu.memory_space<vmem>>, vector<16xi32>,
      %swap3A_185 = vector.shape_cast %swap3A_184 : vector<16xi32> to vector<16xi32>
      %swap3A_186 = vector.shape_cast %add3A_178 : vector<16xi32> to vector<16xi32>
      tpu.vector_store %arg9[%swap3A_183], %swap3A_186 {strides = array<i32>} : memref<8192xi32, #tpu.memory_space<vmem>>, vector<16xi32>,
      %add3A_187 = arith.constant 15728640 : i32
      %add3A_188 = vector.broadcast %add3A_187 : i32 to vector<16xi32>
      %add3A_189 = arith.addi %get3A_22, %add3A_188 : vector<16xi32>
      %mul3A_190 = arith.constant 16 : i32
      %mul3A_191 = arith.muli %scan3A_18, %mul3A_190 : i32
      %add3A_192 = arith.constant 7680 : i32
      %add3A_193 = arith.addi %add3A_192, %mul3A_191 : i32
      %swap3A_194 = arith.index_cast %add3A_193 : i32 to index
      %swap3A_195 = tpu.vector_load %arg9[%swap3A_194] {strides = array<i32>} : memref<8192xi32, #tpu.memory_space<vmem>>, vector<16xi32>,
      %swap3A_196 = vector.shape_cast %swap3A_195 : vector<16xi32> to vector<16xi32>
      %swap3A_197 = vector.shape_cast %add3A_189 : vector<16xi32> to vector<16xi32>
      tpu.vector_store %arg9[%swap3A_194], %swap3A_197 {strides = array<i32>} : memref<8192xi32, #tpu.memory_space<vmem>>, vector<16xi32>,
    }
    %scan3A_9 = arith.constant 32 : i32
    %dma_start3A_10 = arith.constant 0 : i32
    %dma_start3A_11 = tpu.memref_slice %arg3[%dma_start3A_10] : memref<16777216xf32, #tpu.memory_space<hbm>> -> memref<16777216xf32, #tpu.memory_space<hbm>>
    tpu.enqueue_indirect_dma source(%dma_start3A_11 : memref<16777216xf32, #tpu.memory_space<hbm>>) target(%arg10 : memref<8192xf32, #tpu.memory_space<vmem>>) offsets(%arg9 : memref<8192xi32, #tpu.memory_space<vmem>>) semaphore(%arg12 : memref<!tpu.dma_semaphore, #tpu.memory_space<semaphore_mem>>)
    %dma_wait3A = arith.constant 0 : i32
    %dma_wait3A_12 = arith.constant 0 : i32
    %dma_wait3A_13 = tpu.memref_slice %arg2[%dma_wait3A, %dma_wait3A_12] : memref<1000000x128xf32, #tpu.memory_space<hbm>> -> memref<1000000x128xf32, #tpu.memory_space<hbm>>
    tpu.wait_indirect_dma semaphore(%arg11 : memref<!tpu.dma_semaphore, #tpu.memory_space<semaphore_mem>>) src(%dma_wait3A_13 : memref<1000000x128xf32, #tpu.memory_space<hbm>>) dst(%arg8 : memref<512x128xf32, #tpu.memory_space<vmem>>)
    "tpu.region"() ({
      %run_scoped3A = tpu.sem_alloc : memref<!tpu.dma_semaphore, #tpu.memory_space<semaphore_mem>>
      %dma_start3A_18 = arith.constant 0 : i32
      %dma_start3A_19 = tpu.memref_slice %arg5[%mul3A_2, %dma_start3A_18] : memref<16384x128xf32, #tpu.memory_space<hbm>> -> memref<512x128xf32, #tpu.memory_space<hbm>>
      %dma_start3A_20 = arith.constant 0 : i32
      %dma_start3A_21 = tpu.memref_slice %arg5[%mul3A_2, %dma_start3A_20] : memref<16384x128xf32, #tpu.memory_space<hbm>> -> memref<512x128xf32, #tpu.memory_space<hbm>>
      tpu.enqueue_dma source(%arg8 : memref<512x128xf32, #tpu.memory_space<vmem>>) target(%dma_start3A_21 : memref<512x128xf32, #tpu.memory_space<hbm>>) target_semaphore(%run_scoped3A : memref<!tpu.dma_semaphore, #tpu.memory_space<semaphore_mem>>)
      %dma_wait3A_22 = arith.constant 0 : i32
      %dma_wait3A_23 = tpu.memref_slice %arg5[%mul3A_2, %dma_wait3A_22] : memref<16384x128xf32, #tpu.memory_space<hbm>> -> memref<512x128xf32, #tpu.memory_space<hbm>>
      %dma_wait3A_24 = arith.constant 0 : i32
      %dma_wait3A_25 = tpu.memref_slice %arg5[%mul3A_2, %dma_wait3A_24] : memref<16384x128xf32, #tpu.memory_space<hbm>> -> memref<512x128xf32, #tpu.memory_space<hbm>>
      tpu.wait_dma2 semaphore(%run_scoped3A : memref<!tpu.dma_semaphore, #tpu.memory_space<semaphore_mem>>) src(%arg8 : memref<512x128xf32, #tpu.memory_space<vmem>>) dst(%dma_wait3A_25 : memref<512x128xf32, #tpu.memory_space<hbm>>)
      tpu.yield
    }) : () -> ()
    %dma_wait3A_14 = arith.constant 0 : i32
    %dma_wait3A_15 = tpu.memref_slice %arg3[%dma_wait3A_14] : memref<16777216xf32, #tpu.memory_space<hbm>> -> memref<16777216xf32, #tpu.memory_space<hbm>>
    tpu.wait_indirect_dma semaphore(%arg12 : memref<!tpu.dma_semaphore, #tpu.memory_space<semaphore_mem>>) src(%dma_wait3A_15 : memref<16777216xf32, #tpu.memory_space<hbm>>) dst(%arg10 : memref<8192xf32, #tpu.memory_space<vmem>>)
    %mul3A_16 = arith.constant 8192 : i32
    %mul3A_17 = arith.muli %add3A, %mul3A_16 : i32
    "tpu.region"() ({
      %run_scoped3A = tpu.sem_alloc : memref<!tpu.dma_semaphore, #tpu.memory_space<semaphore_mem>>
      %dma_start3A_18 = tpu.memref_slice %arg6[%mul3A_17] : memref<262144xf32, #tpu.memory_space<hbm>> -> memref<8192xf32, #tpu.memory_space<hbm>>
      %dma_start3A_19 = tpu.memref_slice %arg6[%mul3A_17] : memref<262144xf32, #tpu.memory_space<hbm>> -> memref<8192xf32, #tpu.memory_space<hbm>>
      tpu.enqueue_dma source(%arg10 : memref<8192xf32, #tpu.memory_space<vmem>>) target(%dma_start3A_19 : memref<8192xf32, #tpu.memory_space<hbm>>) target_semaphore(%run_scoped3A : memref<!tpu.dma_semaphore, #tpu.memory_space<semaphore_mem>>)
      %dma_wait3A_20 = tpu.memref_slice %arg6[%mul3A_17] : memref<262144xf32, #tpu.memory_space<hbm>> -> memref<8192xf32, #tpu.memory_space<hbm>>
      %dma_wait3A_21 = tpu.memref_slice %arg6[%mul3A_17] : memref<262144xf32, #tpu.memory_space<hbm>> -> memref<8192xf32, #tpu.memory_space<hbm>>
      tpu.wait_dma2 semaphore(%run_scoped3A : memref<!tpu.dma_semaphore, #tpu.memory_space<semaphore_mem>>) src(%arg10 : memref<8192xf32, #tpu.memory_space<vmem>>) dst(%dma_wait3A_21 : memref<8192xf32, #tpu.memory_space<hbm>>)
      tpu.yield
    }) : () -> ()
    return
  }
}

module attributes {stable_mosaic.version = 14 : i64} {
  func.func @body(%arg0: i32, %arg1: memref<16x65536xf32, #tpu.memory_space<vmem>>, %arg2: memref<16x65536xf32, #tpu.memory_space<vmem>>) attributes {dimension_semantics = [#tpu.dimension_semantics<arbitrary>], iteration_bounds = array<i64: 16>, scalar_prefetch = 0 : i64, scratch_operands = 0 : i64, tpu.core_type = #tpu.core_type<tc>, window_params = [{transform_indices = @transform_0, window_bounds = array<i64: 16, 65536>}, {transform_indices = @transform_1, window_bounds = array<i64: 16, 65536>}]} {
    %get3A = arith.constant 0 : index
    %get3A_0 = arith.constant 0 : index
    %get3A_1 = vector.load %arg1[%get3A, %get3A_0] : memref<16x65536xf32, #tpu.memory_space<vmem>>, vector<16x65536xf32>
    %swap3A = arith.constant 0 : index
    %swap3A_2 = arith.constant 0 : index
    %swap3A_3 = vector.load %arg2[%swap3A, %swap3A_2] : memref<16x65536xf32, #tpu.memory_space<vmem>>, vector<16x65536xf32>
    tpu.vector_store %arg2[%swap3A, %swap3A_2], %get3A_1 {strides = array<i32>} : memref<16x65536xf32, #tpu.memory_space<vmem>>, vector<16x65536xf32>,
    return
  }
  func.func @transform_0(%arg0: i32) -> (i32, i32) {
    %c0_i32 = arith.constant 0 : i32
    %c0_i32_0 = arith.constant 0 : i32
    return %c0_i32, %arg0 : i32, i32
  }
  func.func @transform_1(%arg0: i32) -> (i32, i32) {
    %c0_i32 = arith.constant 0 : i32
    %c0_i32_0 = arith.constant 0 : i32
    return %c0_i32, %arg0 : i32, i32
  }
}

module attributes {stable_mosaic.version = 14 : i64} {
  func.func @body(%arg0: i32, %arg1: memref<64x16384xf32, #tpu.memory_space<vmem>>, %arg2: memref<16384x128xf32, #tpu.memory_space<vmem>>) attributes {dimension_semantics = [#tpu.dimension_semantics<arbitrary>], iteration_bounds = array<i64: 62>, scalar_prefetch = 0 : i64, scratch_operands = 0 : i64, tpu.core_type = #tpu.core_type<tc>, window_params = [{transform_indices = @transform_0, window_bounds = array<i64: 64, 16384>}, {transform_indices = @transform_1, window_bounds = array<i64: 16384, 128>}]} {
    %get3A = arith.constant 0 : index
    %get3A_0 = arith.constant 0 : index
    %get3A_1 = vector.load %arg1[%get3A, %get3A_0] : memref<64x16384xf32, #tpu.memory_space<vmem>>, vector<64x16384xf32>
    %transpose3A = tpu.transpose %get3A_1, [1, 0] : vector<64x16384xf32> -> vector<16384x64xf32>
    %concatenate3A = tpu.concatenate %transpose3A, %transpose3A in 1 : vector<16384x64xf32>, vector<16384x64xf32> -> vector<16384x128xf32>
    %swap3A = arith.constant 0 : index
    %swap3A_2 = arith.constant 0 : index
    %swap3A_3 = vector.load %arg2[%swap3A, %swap3A_2] : memref<16384x128xf32, #tpu.memory_space<vmem>>, vector<16384x128xf32>
    tpu.vector_store %arg2[%swap3A, %swap3A_2], %concatenate3A {strides = array<i32>} : memref<16384x128xf32, #tpu.memory_space<vmem>>, vector<16384x128xf32>,
    return
  }
  func.func @transform_0(%arg0: i32) -> (i32, i32) {
    %c0_i32 = arith.constant 0 : i32
    %c0_i32_0 = arith.constant 0 : i32
    return %c0_i32, %arg0 : i32, i32
  }
  func.func @transform_1(%arg0: i32) -> (i32, i32) {
    %c0_i32 = arith.constant 0 : i32
    %c0_i32_0 = arith.constant 0 : i32
    return %arg0, %c0_i32 : i32, i32
  }
}

module attributes {stable_mosaic.version = 14 : i64} {
  func.func @body(%arg0: i32, %arg1: memref<512x128xf32, #tpu.memory_space<vmem>>, %arg2: memref<1x16x512xf32, #tpu.memory_space<vmem>>, %arg3: memref<64x16xf32, #tpu.memory_space<vmem>>, %arg4: memref<512x64xf32, #tpu.memory_space<vmem>>) attributes {dimension_semantics = [#tpu.dimension_semantics<arbitrary>], iteration_bounds = array<i64: 32>, scalar_prefetch = 0 : i64, scratch_operands = 0 : i64, tpu.core_type = #tpu.core_type<tc>, window_params = [{transform_indices = @transform_0, window_bounds = array<i64: 512, 128>}, {transform_indices = @transform_1, window_bounds = array<i64: 1, 16, 512>}, {pipeline_mode = #tpu.pipeline_mode<synchronous>, transform_indices = @transform_2, window_bounds = array<i64: 64, 16>}, {transform_indices = @transform_3, window_bounds = array<i64: 512, 64>}]} {
    %get3A = arith.constant 0 : index
    %get3A_0 = arith.constant 0 : index
    %get3A_1 = vector.load %arg1[%get3A, %get3A_0] : memref<512x128xf32, #tpu.memory_space<vmem>>, vector<512x64xf32>
    %get3A_2 = arith.constant 0 : index
    %get3A_3 = arith.constant 0 : index
    %get3A_4 = arith.constant 0 : index
    %get3A_5 = vector.load %arg2[%get3A_2, %get3A_3, %get3A_4] : memref<1x16x512xf32, #tpu.memory_space<vmem>>, vector<1x16x512xf32>
    %get3A_6 = vector.shape_cast %get3A_5 : vector<1x16x512xf32> to vector<16x512xf32>
    %get3A_7 = arith.constant 0 : index
    %get3A_8 = arith.constant 0 : index
    %get3A_9 = vector.load %arg3[%get3A_7, %get3A_8] : memref<64x16xf32, #tpu.memory_space<vmem>>, vector<64x16xf32>
    %dot_general3A = arith.constant dense<0.000000e+00> : vector<512x64xf32>
    %dot_general3A_10 = tpu.matmul %get3A_6, %get3A_9, %dot_general3A {dimension_numbers = #tpu.dot_dimension_numbers<[0], [1], [1], [0], [0, 1, 1, 0], [], []>, transpose_lhs_hint = false} : vector<16x512xf32>, vector<64x16xf32>, vector<512x64xf32> -> vector<512x64xf32>
    %mul3A = arith.constant 6.250000e-02 : f32
    %mul3A_11 = vector.broadcast %mul3A : f32 to vector<512x64xf32>
    %mul3A_12 = arith.mulf %dot_general3A_10, %mul3A_11 : vector<512x64xf32>
    %add3A = arith.addf %get3A_1, %mul3A_12 : vector<512x64xf32>
    %swap3A = arith.constant 0 : index
    %swap3A_13 = arith.constant 0 : index
    %swap3A_14 = vector.load %arg4[%swap3A, %swap3A_13] : memref<512x64xf32, #tpu.memory_space<vmem>>, vector<512x64xf32>
    tpu.vector_store %arg4[%swap3A, %swap3A_13], %add3A {strides = array<i32>} : memref<512x64xf32, #tpu.memory_space<vmem>>, vector<512x64xf32>,
    return
  }
  func.func @transform_0(%arg0: i32) -> (i32, i32) {
    %c0_i32 = arith.constant 0 : i32
    %c0_i32_0 = arith.constant 0 : i32
    return %arg0, %c0_i32 : i32, i32
  }
  func.func @transform_1(%arg0: i32) -> (i32, i32, i32) {
    %c0_i32 = arith.constant 0 : i32
    %c0_i32_0 = arith.constant 0 : i32
    %c0_i32_1 = arith.constant 0 : i32
    return %arg0, %c0_i32, %c0_i32_0 : i32, i32, i32
  }
  func.func @transform_2(%arg0: i32) -> (i32, i32) {
    %c0_i32 = arith.constant 0 : i32
    %c0_i32_0 = arith.constant 0 : i32
    %c0_i32_1 = arith.constant 0 : i32
    return %c0_i32, %c0_i32_0 : i32, i32
  }
  func.func @transform_3(%arg0: i32) -> (i32, i32) {
    %c0_i32 = arith.constant 0 : i32
    %c0_i32_0 = arith.constant 0 : i32
    return %arg0, %c0_i32 : i32, i32
  }
}

</mosaic_0001>

<sc_bundles>
// kernel: kernel.6.cloned.1.call-start
scs
__scs_entry_jumppad:
0x0: {  	(pc) =	sbr.rel $0x88, $3  }
0x1: {  	(tag) =	ssettag $0x0;
	lr =	simm.s32 $0x1  }
0x2: {  	[smem:$0x3F9D] =	sst lr;
	_ =	strace $0xD0000000  }
0x3: {  	_ = 	snop  }
0x4: {  	_ = 	snop  }
0x5: {  	_ = 	snop  }
0x6: {  	_ = 	snop  }
0x7: {  	_ = 	snop  }
__scs_overlays_trampoline_lowered:
0x8: {  	[smem:$0x3FAC] =	sst s0  }
0x9: {  	[smem:$0x3FAD] =	sst s1  }
0xa: {  	[smem:$0x3FAE] =	sst s2  }
0xb: {  	[smem:$0x3FAF] =	sst s3  }
0xc: {  	[smem:$0x3FB0] =	sst s4  }
0xd: {  	[smem:$0x3FB1] =	sst s5  }
0xe: {  	[smem:$0x3FB2] =	sst s6  }
0xf: {  	[smem:$0x3FB3] =	sst s7  }
0x10: {  	[smem:$0x3FB4] =	sst s8  }
0x11: {  	[smem:$0x3FB5] =	sst s9;
	s0 =	simm.s32 @!p0 $0x0  }
0x12: {  	s1 =	sld [smem:$0x3F9B];
	s0 =	simm.s32 @p0 $0x1  }
0x13: {  	[smem:$0x3FB6] =	sst s0;
	s0 =	simm.s32 @!p1 $0x0  }
0x14: {  	s2 =	sld [smem:$0x3F9A];
	s0 =	simm.s32 @p1 $0x1  }
0x15: {  	[smem:$0x3FB7] =	sst s0;
	s0 =	simm.s32 @!p2 $0x0  }
0x16: {  	s3 =	sld [smem:$0x3FDB];
	s0 =	simm.s32 @p2 $0x1  }
0x17: {  	s4 =	simm.s32 $0x1BF5;
	[smem:$0x3FB9] =	sst s0  }
0x18: {  	s0 =	sld [smem:$0x3F9C];
	_ =	swait.ge [sflag:s4], $0x0  }
0x19: {  	s7 =	sld [smem:$0x3F9D]  }
0x1a: {  	s8 =	sadd.s32 $0xFFFFE003, lr  }
0x1b: {  	s9 =	sadd.s32 $0xFFFFFEF7, lr;
	s5 =	simm.s32 $0xFFFFFFFF;
	p2 =	slt.u32 s8, $0xFFFFF086  }
0x1c: {  	p1 =	slt.u32 s9, $0xF7A;
	s5 =	simm.s32 @!p2 $0x0  }
0x1d: {  	s5 =	simm.s32 @p1 $0x1;
	p0 =	seq.s32 s7, s2  }
0x1e: {  	s7 =	smul.u32 @!p0 $0xF7A, s2;
	p2 =	seq.s32 @!p0 s5, $0x0  }
0x1f: {  	s9 =	smul.u32 $0xF7A, s1;
	s8 =	simm.s32 @!p0 $0x1BF5;
	p2 =	por !p2, p0  }
0x20: {  	[sflag:s8] =	ssyncset.s32 @!p0 $0xFFFFF086;
	s6 =	sadd.s32 @!p0 s3, s7;
	s7 =	simm.s32 @!p0 $0x108  }
0x21: {  	s3 =	sadd.s32 s3, s9;
	s6 =	sadd.s32 @!p0 $0x88, s6;
	s7 =	simm.s32 @p2 $0x1082  }
0x22: {  	[simem:s7], [sflag:s8] =	dma.local @!p0 [hbm:s6], $0xF7A  }
0x23: {  	s9 =	sor.u32 $0xD0000000, s2;
	s6 =	simm.s32 $0x108;
	_ =	swait.ge @!p0 [sflag:s8], $0x0  }
0x24: {  	s3 =	sadd.s32 $0x88, s3;
	s6 =	simm.s32 @!p1 $0x1082;
	[sflag:s4] =	ssyncset.s32 $0xFFFFF086  }
0x25: {  	[simem:s6], [sflag:s4] =	dma.local [hbm:s3], $0xF7A  }
0x26: {  	[smem:$0x3F9D] =	sst s1;
	(tag) =	ssettag s2;
	_ =	strace s9  }
0x27: {  	s1 =	sld [smem:$0x3FAD]  }
0x28: {  	s2 =	sld [smem:$0x3FAE]  }
0x29: {  	s4 =	sld [smem:$0x3FB0]  }
0x2a: {  	p0 =	seq.s32 s5, $0x0;
	s5 =	sld [smem:$0x3FB1]  }
0x2b: {  	s6 =	sld [smem:$0x3FB2]  }
0x2c: {  	s7 =	sld [smem:$0x3FB3]  }
0x2d: {  	s3 =	simm.s32 $0x108;
	s8 =	sld [smem:$0x3FB4]  }
0x2e: {  	s3 =	simm.s32 @!p0 $0x1082;
	s9 =	sld [smem:$0x3FB5]  }
0x2f: {  	lr =	sadd.s32 s0, s3;
	s0 =	sld [smem:$0x3FAC]  }
0x30: {  	s3 =	sld [smem:$0x3FAF]  }
0x31: {  	[smem:$0x3FB8] =	sst s10  }
0x32: {  	s10 =	sld [smem:$0x3FB6];
	_ =	sdelay $0x3  }
0x33: {  	p0 =	seq.s32 s10, $0x1;
	s10 =	sld [smem:$0x3FB8];
	_ =	sdelay $0x3  }
0x34: {  	[smem:$0x3FB8] =	sst s10  }
0x35: {  	s10 =	sld [smem:$0x3FB7];
	_ =	sdelay $0x3  }
0x36: {  	p1 =	seq.s32 s10, $0x1;
	s10 =	sld [smem:$0x3FB8];
	_ =	sdelay $0x3  }
0x37: {  	[smem:$0x3FB8] =	sst s10  }
0x38: {  	s10 =	sld [smem:$0x3FB9]  }
0x39: {  	_ = 	snop;
	(pc) =	sbr.ind lr, $3  }
0x3a: {  	_ = 	snop  }
0x3b: {  	_ = 	snop  }
0x3c: {  	p2 =	seq.s32 s10, $0x1;
	s10 =	sld [smem:$0x3FB8]  }
0x3d: {  	_ =	shalt  }
0x3e: {  	_ =	shalt  }
0x3f: {  	_ =	shalt  }
0x40: {  	_ =	shalt  }
0x41: {  	_ =	shalt  }
0x42: {  	_ =	shalt  }
0x43: {  	_ =	shalt  }
0x44: {  	_ =	shalt  }
0x45: {  	_ =	shalt  }
0x46: {  	_ =	shalt  }
0x47: {  	_ =	shalt  }
0x48: {  	_ =	shalt  }
0x49: {  	_ =	shalt  }
0x4a: {  	_ =	shalt  }
0x4b: {  	_ =	shalt  }
0x4c: {  	_ =	shalt  }
0x4d: {  	_ =	shalt  }
0x4e: {  	_ =	shalt  }
0x4f: {  	_ =	shalt  }
0x50: {  	_ =	shalt  }
0x51: {  	_ =	shalt  }
0x52: {  	_ =	shalt  }
0x53: {  	_ =	shalt  }
0x54: {  	_ =	shalt  }
0x55: {  	_ =	shalt  }
0x56: {  	_ =	shalt  }
0x57: {  	_ =	shalt  }
0x58: {  	_ =	shalt  }
0x59: {  	_ =	shalt  }
0x5a: {  	_ =	shalt  }
0x5b: {  	_ =	shalt  }
0x5c: {  	_ =	shalt  }
0x5d: {  	_ =	shalt  }
0x5e: {  	_ =	shalt  }
0x5f: {  	_ =	shalt  }
0x60: {  	_ =	shalt  }
0x61: {  	_ =	shalt  }
0x62: {  	_ =	shalt  }
0x63: {  	_ =	shalt  }
0x64: {  	_ =	shalt  }
0x65: {  	_ =	shalt  }
0x66: {  	_ =	shalt  }
0x67: {  	_ =	shalt  }
0x68: {  	_ =	shalt  }
0x69: {  	_ =	shalt  }
0x6a: {  	_ =	shalt  }
0x6b: {  	_ =	shalt  }
0x6c: {  	_ =	shalt  }
0x6d: {  	_ =	shalt  }
0x6e: {  	_ =	shalt  }
0x6f: {  	_ =	shalt  }
0x70: {  	_ =	shalt  }
0x71: {  	_ =	shalt  }
0x72: {  	_ =	shalt  }
0x73: {  	_ =	shalt  }
0x74: {  	_ =	shalt  }
0x75: {  	_ =	shalt  }
0x76: {  	_ =	shalt  }
0x77: {  	_ =	shalt  }
0x78: {  	_ =	shalt  }
0x79: {  	_ =	shalt  }
0x7a: {  	_ =	shalt  }
0x7b: {  	_ =	shalt  }
0x7c: {  	_ =	shalt  }
0x7d: {  	_ =	shalt  }
0x7e: {  	_ =	shalt  }
0x7f: {  	_ =	shalt  }
0x80: {  	_ =	shalt  }
0x81: {  	_ =	shalt  }
0x82: {  	_ =	shalt  }
0x83: {  	_ =	shalt  }
0x84: {  	_ =	shalt  }
0x85: {  	_ =	shalt  }
0x86: {  	_ =	shalt  }
0x87: {  	_ =	shalt  }
.Lfunc_end0:
.L_simem_size_0:
called_computation.1_lowered:
.L_overlay_start_0:
0x88: {  	s2 =	sld [smem:$0x3FD9]  }
0x89: {  	s3 =	sld [smem:$0x3FFE];
	_ =	sdelay $0x1  }
0x8a: {  	s1 =	srdreg.scid  }
0x8b: {  	s0 =	sand.u32 $0x1, s1  }
0x8c: {  	s17 =	sshll.u32 s0, $0xA;
	s2 =	sadd.s32 s3, s2  }
0x8d: {  	s2 =	sadd.s32 s2, s17  }
0x8e: {  	[smem:$0x3FC4] =	sst s2  }
0x8f: {  	_ = 	snop  }
0x90: {  	s2 =	sld [smem:$0x3FC9]  }
0x91: {  	s18 =	sld [smem:$0x3FD0];
	(tm) =	ssettm $0x1  }
0x92: {  	s4 =	sld [smem:$0x3FFB];
	_ =	sdelay $0x3  }
0x93: {  	_ =	strace s4  }
0x94: {  	s4 =	sld [smem:$0x3FFC];
	_ =	sdelay $0x3  }
0x95: {  	_ =	strace s4  }
0x96: {  	s4 =	sld [smem:$0x3FFD];
	_ =	sdelay $0x3  }
0x97: {  	_ =	strace s4  }
0x98: {  	_ =	strace $0x8FFFFFFF  }
0x99: {  	s19 =	sld [smem:$0x3FDB];
	_ =	sdelay $0x1  }
0x9a: {  	s5 =	simm.s32 $_scs_section_size  }
0x9b: {  	s6 =	simm.s32 $_size__tile_overlayer_lowered;
	s7 =	simm.s32 $_tile_overlayer_lowered  }
0x9c: {  	s22 =	simm.s32 $0x1BFF;
	s21 =	sshll.u32 s7, $0x1;
	s4 =	sadd.s32 s5, s19  }
0x9d: {  	s8 =	simm.s32 $0x0;
	s20 =	sshll.u32 s6, $0x1;
	s6 =	sadd.s32 s21, s4  }
0x9e: {  	[timem:s8], [sflag:s22] =	dma.local [hbm:s6], s20  }
0x9f: {  	_ =	swait.ge [sflag:s22], s20  }
0xa0: {  	s5 =	ssub.s32 $0x0, s20;
	[sflag:s22] =	ssyncset.done $0x0  }
0xa1: {  	[sflag:s22] =	ssyncadd.s32 s5;
	_ =	sdelay $0x1  }
0xa2: {  	s23 =	simm.s32 $0x1B8B  }
0xa3: {  	_ =	swait.ge [sflag:s23], $0x1  }
0xa4: {  	[sflag:s23] =	ssyncset.done $0x0  }
0xa5: {  	s25 =	simm.s32 $0x1B8E;
	s24 =	sld [smem:$0x3FFE];
	[sflag:s23] =	ssyncadd.s32 $0xFFFFFFFF  }
0xa6: {  	s26 =	simm.s32 $execute0_lowered;
	[smem:$0x3FD2] =	sst s25  }
0xa7: {  	s6 =	sshll.u32 s26, $0x1;
	_ =	strace $0x80000049;
	[dreg:$0x1] =	wrdreg $0xFFFFFFFF  }
0xa8: {  	s28 =	simm.s32 $_size_execute0_lowered;
	s4 =	sadd.s32 s4, s6;
	[dreg:$0x0] =	wrdreg $0x0  }
0xa9: {  	s6 =	sshll.u32 s28, $0x1;
	[dreg:$0x2] =	wrdreg s4  }
0xaa: {  	[dreg:$0x3] =	wrdreg s6  }
0xab: {  	[dreg:$0x4] =	wrdreg $0xC0  }
0xac: {  	_ =	task [dreg:s8], $0x5FFFF  }
0xad: {  	[dreg:$0x1] =	wrdreg $0xFFFFFFFF  }
0xae: {  	[dreg:$0x0] =	wrdreg $0x60  }
0xaf: {  	[dreg:$0x2] =	wrdreg s24  }
0xb0: {  	[dreg:$0x3] =	wrdreg s2  }
0xb1: {  	[dreg:$0x4] =	wrdreg s18  }
0xb2: {  	[dreg:$0x5] =	wrdreg $0x9  }
0xb3: {  	_ =	task.clear_ibuf [dreg:s8], $0x6FFFF;
	_ =	strace $0x90000049  }
0xb4: {  	s29 =	simm.s32 $0x9;
	_ =	strace $0x8000004B  }
0xb5: {  	_ =	swait.ge [sflag:s29], $0x1  }
0xb6: {  	[sflag:s29] =	ssyncadd.s32 $0xFFFFFFFF  }
0xb7: {  	_ =	strace $0x9000004B  }
0xb8: {  	_ =	sfence  }
0xb9: {  	s30 =	sld [smem:$0x0];
	_ =	sdelay $0x2  }
0xba: {  	s31 =	sshll.u32 s1, $0xD;
	s1 =	sshrl.u32 s1, $0x2  }
0xbb: {  	s3 =	sand.u32 $0x4000, s31;
	s1 =	sadd.s32 s1, s30  }
0xbc: {  	s0 =	sor.u32 s3, s0;
	s1 =	sshll.u32 s1, $0x11  }
0xbd: {  	s0 =	sor.u32 s1, s0  }
0xbe: {  	s0 =	sadd.s32 $0x8F2B, s0  }
0xbf: {  	[sflag:s0] =	ssyncadd.remote.s32 $0x1  }
0xc0: {  	_ =	sfence.sel $0xFFFF  }
0xc1: {  	[dreg:$0x0] =	wrdreg $0xFFFFFFFF;
	(pc) =	sbr.abs _section_cstart, $3  }
0xc2: {  	[dreg:$0x1] =	wrdreg $0xFFFFFFFF  }
0xc3: {  	_ =	task.clear_ibuf [dreg:s8], $0x2FFFF;
	_ =	strace $0x9FFFFFFF  }
0xc4: {  	(tm) =	ssettm $0x7FFFFFFF  }
0xc5: {  	_ =	shalt  }
tec
execute0_lowered:
.L_overlay_start_1:
0x0: {  	(tag) =	ssettag $0x1  }
0x1: {  	s5 =	rddreg [dreg:$0x0]  }
0x2: {  	s6 =	rddreg [dreg:$0x1]  }
0x3: {  	s7 =	rddreg [dreg:$0x2]  }
0x4: {  	s0 =	rddreg [dreg:$0x3];
	s2 =	simm.s32 $0x0;
	s3 =	srdreg.scid  }
0x5: {  	s1 =	stileid.u32;
	s11 =	simm.s32 $0x2000;
	s12 =	simm.s32 $0x10200  }
0x6: {  	s13 =	simm.s32 $0x12200;
	s14 =	simm.s32 $0x1;
	s15 =	simm.s32 $0x2  }
0x7: {  	s16 =	simm.s32 $0x0;
	[smem:$0x7FF] =	sst s2;
	s4 =	sand.u32 $0x1, s3  }
0x8: {  	s29 =	sshll.u32 s1, $0x1;
	s3 =	sadd.s32 $0x401000, s5;
	_ =	strace $0x8000004A  }
0x9: {  	s8 =	sor.u32 s4, s29;
	s10 =	ssub.s32 $0x2, s4;
	s4 =	sadd.s32 $0x201000, s5  }
0xa: {  	s9 =	sshll.u32 s8, $0xD;
	s30 =	sshrl.u32 s10, $0x1;
	s31 =	sshll.u32 s8, $0x6  }
0xb: {  	s8 =	sshll.u32 s8, $0xA;
	s9 =	sadd.s32 s9, s5;
	s10 =	ssub.s32 s10, s30  }
0xc: {  	s5 =	sadd.s32 s6, s31;
	s7 =	sadd.s32 s7, s8;
	s6 =	sadd.s32 $0x1000, s9  }
0xd: {  	s8 =	smax.u32 s10, $0x1;
	s9 =	simm.s32 $0x3;
	s10 =	simm.s32 $0x200  }
.LBB2_1:
0xe: {  	[tilespmem:s2], [sflag:$0x3] =	stream.linear.gather [hbm4b:s5+s2], $0x200, $0x38;
	[tilespmem:$0x14200] =	vst v63  }
0xf: {  	_ =	swait.ge [sflag:s9], $0x200  }
0x10: {  	[sflag:s9] =	ssyncset.done $0x0  }
0x11: {  	s17 =	simm.s32 $0x0;
	[sflag:s9] =	ssyncadd.s32 $0xFFFFFE00  }
0x12: {  	[tilespmem:s10], [sflag:$0x1] =	stream.indirect.gather [hbm4b:s3+s10], $0x80, s2, s10, $0xb8;
	[tilespmem:$0x14200] =	vst v63  }
0x13: {  	v1 =	vld [tilespmem:s17+$0x0];
	_ =	sdelay $0x4  }
0x14: {  	[tilespmem:s17+$0x10200] =	vst v1;
	v0 =	vadd.s32 $0xF00000, v1  }
0x15: {  	v2 =	vadd.s32 $0x100000, v1;
	[tilespmem:s17+$0x12000] =	vst v0  }
0x16: {  	v3 =	vadd.s32 $0x800000, v1;
	[tilespmem:s17+$0x10400] =	vst v2  }
0x17: {  	v5 =	vadd.s32 $0x900000, v1;
	[tilespmem:s17+$0x11200] =	vst v3  }
0x18: {  	v0 =	vadd.s32 $0x200000, v1;
	[tilespmem:s17+$0x11400] =	vst v5  }
0x19: {  	v2 =	vadd.s32 $0x300000, v1;
	[tilespmem:s17+$0x10600] =	vst v0  }
0x1a: {  	v0 =	vadd.s32 $0x400000, v1;
	[tilespmem:s17+$0x10800] =	vst v2  }
0x1b: {  	v2 =	vadd.s32 $0x500000, v1;
	[tilespmem:s17+$0x10A00] =	vst v0  }
0x1c: {  	v0 =	vadd.s32 $0x600000, v1;
	[tilespmem:s17+$0x10C00] =	vst v2  }
0x1d: {  	v4 =	vadd.s32 $0xC00000, v1;
	v3 =	vadd.s32 $0xD00000, v1;
	v2 =	vadd.s32 $0x700000, v1;
	[tilespmem:s17+$0x10E00] =	vst v0  }
0x1e: {  	s18 =	simm.s32 $0x10;
	s19 =	simm.s32 $0x80;
	[tilespmem:s17+$0x11000] =	vst v2;
	v2 =	vadd.s32 $0xA00000, v1;
	v0 =	vadd.s32 $0xB00000, v1;
	v1 =	vadd.s32 $0xE00000, v1  }
.LBB2_2:
0x1f: {  	p0 =	sne.s32 s19, $0x7C0;
	v5 =	vld [tilespmem:s18+$0x0];
	[tilespmem:s17+$0x11600] =	vst v2  }
0x20: {  	[tilespmem:s17+$0x11800] =	vst v0  }
0x21: {  	[tilespmem:s17+$0x11A00] =	vst v4  }
0x22: {  	[tilespmem:s17+$0x11C00] =	vst v3  }
0x23: {  	[tilespmem:s17+$0x11E00] =	vst v1;
	s17 =	smov.u32 s18  }
0x24: {  	[tilespmem:s17+$0x10200] =	vst v5;
	v0 =	vadd.s32 $0x100000, v5;
	v1 =	vadd.s32 $0x200000, v5;
	v2 =	vadd.s32 $0xF00000, v5  }
0x25: {  	v3 =	vadd.s32 $0x300000, v5;
	v6 =	vadd.s32 $0x400000, v5;
	v7 =	vadd.s32 $0x500000, v5;
	[tilespmem:s17+$0x12000] =	vst v2  }
0x26: {  	v8 =	vadd.s32 $0x600000, v5;
	v9 =	vadd.s32 $0x700000, v5;
	v10 =	vadd.s32 $0x800000, v5;
	[tilespmem:s17+$0x10400] =	vst v0  }
0x27: {  	v11 =	vadd.s32 $0x900000, v5;
	v2 =	vadd.s32 $0xA00000, v5;
	v0 =	vadd.s32 $0xB00000, v5;
	[tilespmem:s17+$0x10600] =	vst v1  }
0x28: {  	v4 =	vadd.s32 $0xC00000, v5;
	v1 =	vadd.s32 $0xE00000, v5;
	[tilespmem:s17+$0x10800] =	vst v3;
	v3 =	vadd.s32 $0xD00000, v5  }
0x29: {  	[tilespmem:s17+$0x10A00] =	vst v6  }
.Ltmp0:
0x2a: {  	[tilespmem:s17+$0x10C00] =	vst v7;
	(pc) =	sbr.rel @p0 .LBB2_2-.Ltmp0, $4  }
0x2b: {  	[tilespmem:s17+$0x10E00] =	vst v8  }
0x2c: {  	[tilespmem:s17+$0x11000] =	vst v9  }
0x2d: {  	[tilespmem:s17+$0x11200] =	vst v10  }
0x2e: {  	s18 =	sshra.s32 s19, $0x2;
	s19 =	sadd.s32 $0x40, s19;
	[tilespmem:s17+$0x11400] =	vst v11  }
0x2f: {  	v5 =	vld [tilespmem:s18+$0x0];
	[tilespmem:s17+$0x11600] =	vst v2  }
0x30: {  	[tilespmem:s17+$0x11800] =	vst v0  }
0x31: {  	[tilespmem:s17+$0x11A00] =	vst v4  }
0x32: {  	[tilespmem:s17+$0x11C00] =	vst v3  }
0x33: {  	[tilespmem:s17+$0x11E00] =	vst v1  }
0x34: {  	[tilespmem:s18+$0x10200] =	vst v5;
	v49 =	vadd.s32 $0xF00000, v5  }
0x35: {  	v50 =	vadd.s32 $0x100000, v5;
	[tilespmem:s18+$0x12000] =	vst v49  }
0x36: {  	v51 =	vadd.s32 $0x200000, v5;
	[tilespmem:s18+$0x10400] =	vst v50  }
0x37: {  	v52 =	vadd.s32 $0x300000, v5;
	[tilespmem:s18+$0x10600] =	vst v51  }
0x38: {  	v53 =	vadd.s32 $0x400000, v5;
	[tilespmem:s18+$0x10800] =	vst v52  }
0x39: {  	v54 =	vadd.s32 $0x500000, v5;
	[tilespmem:s18+$0x10A00] =	vst v53  }
0x3a: {  	v55 =	vadd.s32 $0x600000, v5;
	[tilespmem:s18+$0x10C00] =	vst v54  }
0x3b: {  	v56 =	vadd.s32 $0x700000, v5;
	[tilespmem:s18+$0x10E00] =	vst v55  }
0x3c: {  	v57 =	vadd.s32 $0x800000, v5;
	[tilespmem:s18+$0x11000] =	vst v56  }
0x3d: {  	v58 =	vadd.s32 $0x900000, v5;
	[tilespmem:s18+$0x11200] =	vst v57  }
0x3e: {  	v59 =	vadd.s32 $0xA00000, v5;
	[tilespmem:s18+$0x11400] =	vst v58  }
0x3f: {  	v60 =	vadd.s32 $0xB00000, v5;
	[tilespmem:s18+$0x11600] =	vst v59  }
0x40: {  	v61 =	vadd.s32 $0xC00000, v5;
	[tilespmem:s18+$0x11800] =	vst v60  }
0x41: {  	v62 =	vadd.s32 $0xD00000, v5;
	[tilespmem:s18+$0x11A00] =	vst v61  }
0x42: {  	v63 =	vadd.s32 $0xE00000, v5;
	[tilespmem:s18+$0x11C00] =	vst v62  }
0x43: {  	[tilespmem:s18+$0x11E00] =	vst v63  }
0x44: {  	[tilespmem:s13], [sflag:$0x2] =	stream.indirect.gather [hbm4b:s4+s11], $0x1, s12, s11, $0xb8;
	[tilespmem:$0x14200] =	vst v63  }
0x45: {  	_ =	swait.ge [sflag:s14], $0x10000  }
0x46: {  	[sflag:s14] =	ssyncset.done $0x0  }
0x47: {  	[sflag:s14] =	ssyncadd.s32 $0xFFFF0000  }
0x48: {  	[hbm4b:s6+s2] =	stream.linear.scatter [tilespmem:s10], [sflag:$0x3], $0x10000, $0x38;
	[tilespmem:$0x14200] =	vst v63  }
0x49: {  	_ =	swait.ge [sflag:s9], $0x10000  }
0x4a: {  	[sflag:s9] =	ssyncset.done $0x0  }
0x4b: {  	[sflag:s9] =	ssyncadd.s32 $0xFFFF0000  }
0x4c: {  	s16 =	sadd.s32 $0x1, s16;
	_ =	swait.ge [sflag:s15], $0x2000  }
0x4d: {  	p0 =	sne.s32 s16, s8;
	[sflag:s15] =	ssyncset.done $0x0  }
.Ltmp1:
0x4e: {  	[sflag:s15] =	ssyncadd.s32 $0xFFFFE000;
	(pc) =	sbr.rel @p0 .LBB2_1-.Ltmp1, $4  }
0x4f: {  	[hbm4b:s7+s2] =	stream.linear.scatter [tilespmem:s13], [sflag:$0x3], $0x2000, $0x38;
	[tilespmem:$0x14200] =	vst v63  }
0x50: {  	_ =	swait.ge [sflag:s9], $0x2000  }
0x51: {  	[sflag:s9] =	ssyncset.done $0x0  }
0x52: {  	[sflag:s9] =	ssyncadd.s32 $0xFFFFE000  }
0x53: {  	_ =	sfence.sel $0x180000  }
0x54: {  	[bflag:$0x0] =	sbarrier.arrive $0xFFFF  }
0x55: {  	p0 =	sne.s32 s1, $0x0;
	_ =	strace $0x9000004A  }
0x56: {  	s0 =	sadd.s32 @!p0 $0x100000, s0;
	[bflag:$0x2] =	sbarrier.arrive $0xFFFF  }
0x57: {  	[sflag:s0] =	ssyncadd.tile.s32 @!p0 $0x1;
	_ =	shalt  }
.Lfunc_end2:
_tile_overlayer_lowered:
.L_overlay_start_2:
0x58: {  	(tag) =	ssettag $0x2  }
0x59: {  	s0 =	rddreg [dreg:$0x0];
	s2 =	stileid.u32  }
0x5a: {  	s1 =	rddreg [dreg:$0x1];
	p0 =	sne.s32 s2, $0x0  }
0x5b: {  	s3 =	rddreg [dreg:$0x2];
	[bflag:$0x3] =	sbarrier.arrive $0xFFFF;
	s2 =	simm.s32 @!p0 $0x1C03  }
0x5c: {  	[timem:s3], [sflag:s2] =	dma.local @!p0 [hbm:s0], s1  }
0x5d: {  	s0 =	simm.s32 @!p0 $0x3  }
0x5e: {  	_ =	swait.ge @!p0 [sflag:s0], s1  }
0x5f: {  	s1 =	ssub.s32 @!p0 $0x0, s1;
	[sflag:s0] =	ssyncset.done @!p0 $0x0  }
0x60: {  	[sflag:s0] =	ssyncadd.s32 @!p0 s1  }
0x61: {  	[bflag:$0x3] =	sbarrier.arrive $0xFFFF  }
0x62: {  	_ =	shalt  }

// kernel: sparse-core-data-format-call.cloned.1.call-start
scs
called_computation_lowered:
.L_overlay_start_0:
0x0: {  	s1 =	sld [smem:$0x3FD9]  }
0x1: {  	s2 =	sld [smem:$0x3FFE];
	_ =	sdelay $0x1  }
0x2: {  	s3 =	srdreg.scid  }
0x3: {  	s0 =	sand.u32 $0x1, s3  }
0x4: {  	s17 =	sshll.u32 s0, $0xA;
	s1 =	sadd.s32 s2, s1  }
0x5: {  	s1 =	sadd.s32 s1, s17  }
0x6: {  	[smem:$0x3FC4] =	sst s1  }
0x7: {  	_ = 	snop  }
0x8: {  	(tm) =	ssettm $0x1  }
0x9: {  	s18 =	sld [smem:$0x3FFB];
	_ =	sdelay $0x3  }
0xa: {  	_ =	strace s18  }
0xb: {  	s1 =	sld [smem:$0x3FFC];
	_ =	sdelay $0x3  }
0xc: {  	_ =	strace s1  }
0xd: {  	s1 =	sld [smem:$0x3FFD];
	_ =	sdelay $0x3  }
0xe: {  	_ =	strace s1  }
0xf: {  	_ =	strace $0x8FFFFFFF  }
0x10: {  	s19 =	sld [smem:$0x3FDB];
	_ =	sdelay $0x1  }
0x11: {  	s20 =	simm.s32 $_scs_section_size  }
0x12: {  	s4 =	simm.s32 $_size__tile_overlayer_lowered;
	s5 =	simm.s32 $_tile_overlayer_lowered  }
0x13: {  	s23 =	simm.s32 $0x1BFF;
	s22 =	sshll.u32 s5, $0x1;
	s1 =	sadd.s32 s20, s19  }
0x14: {  	s6 =	simm.s32 $0x0;
	s21 =	sshll.u32 s4, $0x1;
	s4 =	sadd.s32 s22, s1  }
0x15: {  	[timem:s6], [sflag:s23] =	dma.local [hbm:s4], s21  }
0x16: {  	_ =	swait.ge [sflag:s23], s21  }
0x17: {  	s2 =	ssub.s32 $0x0, s21;
	[sflag:s23] =	ssyncset.done $0x0  }
0x18: {  	[sflag:s23] =	ssyncadd.s32 s2;
	_ =	sdelay $0x1  }
0x19: {  	s24 =	simm.s32 $0x1B8B  }
0x1a: {  	_ =	swait.ge [sflag:s24], $0x1  }
0x1b: {  	[sflag:s24] =	ssyncset.done $0x0  }
0x1c: {  	s26 =	simm.s32 $0x1B8E;
	s25 =	sld [smem:$0x3FFE];
	[sflag:s24] =	ssyncadd.s32 $0xFFFFFFFF  }
0x1d: {  	s27 =	simm.s32 $execute0_lowered;
	[smem:$0x3FD2] =	sst s26  }
0x1e: {  	s4 =	sshll.u32 s27, $0x1;
	_ =	strace $0x80000046;
	[dreg:$0x1] =	wrdreg $0xFFFFFFFF  }
0x1f: {  	s28 =	simm.s32 $_size_execute0_lowered;
	s1 =	sadd.s32 s1, s4;
	[dreg:$0x0] =	wrdreg $0x0  }
0x20: {  	s4 =	sshll.u32 s28, $0x1;
	[dreg:$0x2] =	wrdreg s1  }
0x21: {  	[dreg:$0x3] =	wrdreg s4  }
0x22: {  	[dreg:$0x4] =	wrdreg $0xC0  }
0x23: {  	_ =	task [dreg:s6], $0x5FFFF  }
0x24: {  	[dreg:$0x1] =	wrdreg $0xFFFFFFFF  }
0x25: {  	[dreg:$0x0] =	wrdreg $0x60  }
0x26: {  	[dreg:$0x2] =	wrdreg s25  }
0x27: {  	[dreg:$0x3] =	wrdreg $0x9  }
0x28: {  	_ =	task.clear_ibuf [dreg:s6], $0x4FFFF;
	_ =	strace $0x90000046  }
0x29: {  	s29 =	simm.s32 $0x9;
	_ =	strace $0x80000048  }
0x2a: {  	_ =	swait.ge [sflag:s29], $0x1  }
0x2b: {  	[sflag:s29] =	ssyncadd.s32 $0xFFFFFFFF  }
0x2c: {  	_ =	strace $0x90000048  }
0x2d: {  	_ =	sfence  }
0x2e: {  	s30 =	sld [smem:$0x0];
	_ =	sdelay $0x2  }
0x2f: {  	s31 =	sshll.u32 s3, $0xD;
	s3 =	sshrl.u32 s3, $0x2  }
0x30: {  	s2 =	sand.u32 $0x4000, s31;
	s1 =	sadd.s32 s3, s30  }
0x31: {  	s0 =	sor.u32 s2, s0;
	s1 =	sshll.u32 s1, $0x11  }
0x32: {  	s0 =	sor.u32 s1, s0  }
0x33: {  	s0 =	sadd.s32 $0x8F2B, s0  }
0x34: {  	[sflag:s0] =	ssyncadd.remote.s32 $0x1  }
0x35: {  	_ =	sfence.sel $0xFFFF  }
0x36: {  	[dreg:$0x0] =	wrdreg $0xFFFFFFFF;
	(pc) =	sbr.abs _section_cstart, $3  }
0x37: {  	[dreg:$0x1] =	wrdreg $0xFFFFFFFF  }
0x38: {  	_ =	task.clear_ibuf [dreg:s6], $0x2FFFF;
	_ =	strace $0x9FFFFFFF  }
0x39: {  	(tm) =	ssettm $0x7FFFFFFF  }
tec
execute0_lowered:
.L_overlay_start_1:
0x0: {  	(tag) =	ssettag $0x1  }
0x1: {  	s0 =	stileid.u32;
	s1 =	srdreg.scid  }
0x2: {  	s7 =	rddreg [dreg:$0x0];
	s31 =	simm.s32 $0x2;
	s15 =	simm.s32 $0x0  }
0x3: {  	s9 =	simm.s32 $0x800;
	s2 =	sshll.u32 s0, $0x3;
	s1 =	sshll.u32 s1, $0x7  }
0x4: {  	s10 =	simm.s32 $0x100000;
	s1 =	sor.u32 s2, s1;
	s2 =	sand.u32 $0x1, s0  }
0x5: {  	s11 =	simm.s32 $0x0;
	s1 =	sand.u32 $0xF0, s1;
	s4 =	ssub.s32 $0x2, s2  }
0x6: {  	s16 =	simm.s32 $0x0;
	s3 =	ssub.s32 $0x2000, s1;
	s6 =	sshrl.u32 s4, $0x1  }
0x7: {  	s4 =	sand.u32 $0x1, s4;
	s5 =	sand.u32 $0xF0, s3;
	s8 =	sshrl.u32 s3, $0x8  }
0x8: {  	s3 =	rddreg [dreg:$0x1];
	p0 =	sne.s32 s5, $0x0;
	s5 =	simm.s32 $0x1  }
.Ltmp0:
0x9: {  	s6 =	sadd.s32 s4, s6;
	s5 =	simm.s32 @!p0 $0x0;
	(pc) =	sbr.rel .LBB1_1-.Ltmp0, $4  }
0xa: {  	_ =	strace $0x80000047;
	s4 =	simm.s32 $0x1;
	s5 =	sadd.s32 s5, s8  }
0xb: {  	s14 =	simm.s32 $0x0;
	[sflag:s4] =	ssyncpa.u1 $0x0;
	s5 =	smul.u32 s6, s5  }
0xc: {  	s13 =	smov.u32 s2;
	s12 =	smov.u32 s1;
	[sflag:s31] =	ssyncpa.u1 $0x0  }
0xd: {  	s6 =	sadd.s32 $0x1000, s7;
	s7 =	sadd.s32 $0x201000, s7;
	s8 =	sadd.s32 $0x1, s5  }
.LBB1_7:
0xe: {  	s17 =	sadd.s32 $0x100, s12  }
0xf: {  	s15 =	sadd.s32 $0x2, s13;
	s19 =	smov.u32 s13;
	p1 =	sgt.s32 s17, $0x1FFF  }
0x10: {  	s19 =	smov.u32 @p1 s15  }
0x11: {  	s17 =	smov.u32 @p1 s1;
	p1 =	sgt.s32 s19, $0x1  }
0x12: {  	s19 =	smov.u32 @p1 s2;
	p1 =	sne.s32 s14, s8  }
.Ltmp1:
0x13: {  	p0 =	slt.u32 s14, $0x2;
	(pc) =	sbr.rel @!p1 .LBB1_8-.Ltmp1, $4  }
0x14: {  	s18 =	simm.s32 @!p0 $0x2  }
0x15: {  	s16 =	smov.u32 s13;
	s11 =	sadd.s32 $0x4000, s11;
	_ =	swait.ge @!p0 [sflag:s18], $0x4000  }
0x16: {  	s15 =	smov.u32 s12;
	[sflag:s18] =	ssyncset.done @!p0 $0x0;
	s12 =	smov.u32 s17  }
0x17: {  	s14 =	sadd.s32 $0x1, s14;
	[sflag:s18] =	ssyncadd.s32 @!p0 $0xFFFFC000;
	s13 =	smov.u32 s19  }
.LBB1_1:
0x18: {  	p0 =	sge.u32 s14, s5  }
0x19: {  	s31 =	sadd.s32 $0xFFFFFFFF, s14;
	s17 =	sxor.u32 @!p0 $0xFFFFFFFF, s14;
	s18 =	sshll.u32 @!p0 s13, $0x14  }
0x1a: {  	s19 =	sshll.u32 @!p0 s12, $0x7;
	s17 =	sshll.u32 @!p0 s17, $0xE;
	s18 =	sadd.s32 @!p0 s6, s18  }
0x1b: {  	s17 =	sand.u32 @!p0 $0x4000, s17;
	s18 =	sadd.s32 @!p0 s19, s18;
	s19 =	simm.s32 @!p0 $0x0  }
0x1c: {  	[tilespmem:s17], [sflag:$0x1] =	stream.linear.gather @!p0 [hbm4b:s18+s19], $0x4000, $0x38;
	[tilespmem:$0x10000] =	vst v63  }
0x1d: {  	p0 =	sge.u32 s31, s5  }
.Ltmp2:
0x1e: {  	_ = 	snop;
	(pc) =	sbr.rel @p0 .LBB1_7-.Ltmp2, $1  }
0x1f: {  	_ =	sdelay $0x3  }
0x20: {  	s18 =	sand.u32 $0x4000, s11  }
0x21: {  	_ =	swait.ge [sflag:s4], $0x4000;
	s20 =	sshll.u32 s14, $0xE;
	s17 =	sor.u32 $0x8040, s18  }
0x22: {  	s19 =	sor.u32 $0x40, s18;
	[sflag:s4] =	ssyncset.done $0x0;
	s31 =	sand.u32 $0x4000, s20  }
0x23: {  	s20 =	simm.s32 $0x0;
	[sflag:s4] =	ssyncadd.s32 $0xFFFFC000;
	s18 =	sor.u32 $0x8000, s31  }
.LBB1_3:
0x24: {  	v0 =	vmov s19;
	_ =	sdelay $0x3  }
0x25: {  	s22 =	simm.s32 $0x0  }
0x26: {  	v6 =	vld.idx.msk [tilespmem:v0+s22+$0x30 ss:$0x1], $0xffff  }
0x27: {  	v7 =	vld.idx.msk [tilespmem:v0+s22+$0xFFFFFFC0 ss:$0x1], $0xffff  }
0x28: {  	v5 =	vld.idx.msk [tilespmem:v0+s22+$0xFFFFFFD0 ss:$0x1], $0xffff  }
0x29: {  	v4 =	vld.idx.msk [tilespmem:v0+s22+$0xFFFFFFE0 ss:$0x1], $0xffff  }
0x2a: {  	v3 =	vld.idx.msk [tilespmem:v0+s22+$0xFFFFFFF0 ss:$0x1], $0xffff  }
0x2b: {  	v1 =	vld.idx.msk [tilespmem:v0+s22+$0x0 ss:$0x1], $0xffff  }
0x2c: {  	v2 =	vld.idx.msk [tilespmem:v0+s22+$0x10 ss:$0x1], $0xffff;
	[tilespmem:s17+$0x30] =	vst v6  }
0x2d: {  	s21 =	simm.s32 $0x80;
	s23 =	simm.s32 $0x400;
	[tilespmem:s17+$0xFFFFFFC0] =	vst v7;
	v6 =	vld.idx.msk [tilespmem:v0+s22+$0x20 ss:$0x1], $0xffff;
	s22 =	smov.u32 s17  }
.LBB1_4:
0x2e: {  	p0 =	sne.s32 s23, $0xE00;
	v7 =	vld.idx.msk [tilespmem:v0+s21+$0x30 ss:$0x1], $0xffff;
	[tilespmem:s22+$0xFFFFFFD0] =	vst v5  }
0x2f: {  	v8 =	vld.idx.msk [tilespmem:v0+s21+$0xFFFFFFC0 ss:$0x1], $0xffff;
	[tilespmem:s22+$0xFFFFFFE0] =	vst v4  }
0x30: {  	v5 =	vld.idx.msk [tilespmem:v0+s21+$0xFFFFFFD0 ss:$0x1], $0xffff;
	[tilespmem:s22+$0xFFFFFFF0] =	vst v3  }
.Ltmp3:
0x31: {  	v4 =	vld.idx.msk [tilespmem:v0+s21+$0xFFFFFFE0 ss:$0x1], $0xffff;
	[tilespmem:s22+$0x0] =	vst v1;
	(pc) =	sbr.rel @p0 .LBB1_4-.Ltmp3, $4  }
0x32: {  	v3 =	vld.idx.msk [tilespmem:v0+s21+$0xFFFFFFF0 ss:$0x1], $0xffff;
	[tilespmem:s22+$0x10] =	vst v2  }
0x33: {  	v1 =	vld.idx.msk [tilespmem:v0+s21+$0x0 ss:$0x1], $0xffff;
	[tilespmem:s22+$0x20] =	vst v6;
	s22 =	sadd.s32 $0x800, s22  }
0x34: {  	v2 =	vld.idx.msk [tilespmem:v0+s21+$0x10 ss:$0x1], $0xffff;
	[tilespmem:s22+$0x30] =	vst v7  }
0x35: {  	[tilespmem:s22+$0xFFFFFFC0] =	vst v8;
	v6 =	vld.idx.msk [tilespmem:v0+s21+$0x20 ss:$0x1], $0xffff;
	s21 =	sshra.s32 s23, $0x2;
	s23 =	sadd.s32 $0x200, s23  }
0x36: {  	_ =	sdelay $0x2  }
0x37: {  	[tilespmem:s22+$0xFFFFFFD0] =	vst v5  }
0x38: {  	v56 =	vld.idx.msk [tilespmem:v0+s21+$0x30 ss:$0x1], $0xffff;
	[tilespmem:s22+$0xFFFFFFE0] =	vst v4  }
0x39: {  	v57 =	vld.idx.msk [tilespmem:v0+s21+$0xFFFFFFC0 ss:$0x1], $0xffff;
	[tilespmem:s22+$0xFFFFFFF0] =	vst v3  }
0x3a: {  	v58 =	vld.idx.msk [tilespmem:v0+s21+$0xFFFFFFD0 ss:$0x1], $0xffff;
	[tilespmem:s22+$0x0] =	vst v1  }
0x3b: {  	v59 =	vld.idx.msk [tilespmem:v0+s21+$0xFFFFFFE0 ss:$0x1], $0xffff;
	[tilespmem:s22+$0x10] =	vst v2  }
0x3c: {  	v60 =	vld.idx.msk [tilespmem:v0+s21+$0xFFFFFFF0 ss:$0x1], $0xffff;
	s31 =	sadd.s32 $0x800, s22;
	[tilespmem:s22+$0x20] =	vst v6  }
0x3d: {  	v61 =	vld.idx.msk [tilespmem:v0+s21+$0x0 ss:$0x1], $0xffff;
	[tilespmem:s31+$0x30] =	vst v56  }
0x3e: {  	v62 =	vld.idx.msk [tilespmem:v0+s21+$0x10 ss:$0x1], $0xffff;
	s20 =	sadd.s32 $0x1, s20;
	[tilespmem:s31+$0xFFFFFFC0] =	vst v57  }
0x3f: {  	v63 =	vld.idx.msk [tilespmem:v0+s21+$0x20 ss:$0x1], $0xffff;
	p0 =	sne.s32 s20, $0x10;
	[tilespmem:s31+$0xFFFFFFD0] =	vst v58  }
.Ltmp4:
0x40: {  	[tilespmem:s31+$0xFFFFFFE0] =	vst v59;
	(pc) =	sbr.rel @p0 .LBB1_3-.Ltmp4, $4  }
0x41: {  	[tilespmem:s31+$0xFFFFFFF0] =	vst v60  }
0x42: {  	[tilespmem:s31+$0x0] =	vst v61  }
0x43: {  	[tilespmem:s31+$0x10] =	vst v62  }
0x44: {  	s17 =	sadd.s32 $0x80, s17;
	s19 =	sadd.s32 $0x400, s19;
	[tilespmem:s31+$0x20] =	vst v63  }
.Ltmp5:
0x45: {  	(pc) =	sbr.rel .LBB1_7-.Ltmp5, $4  }
0x46: {  	s16 =	sshll.u32 s16, $0x14;
	s15 =	sshll.u32 s15, $0x4  }
0x47: {  	s15 =	sand.u32 $0x1FFF0, s15;
	s16 =	sadd.s32 s7, s16  }
0x48: {  	s15 =	sadd.s32 s15, s16  }
0x49: {  	[hbm4b:s15+s9] =	stream.strided.scatter [tilespmem:s18], [sflag:$0x2], $0x4000, s10, s9, $0x38;
	[tilespmem:$0x10000] =	vst v63  }
.LBB1_8:
0x4a: {  	_ =	sfence.sel $0x180000  }
0x4b: {  	s1 =	simm.s32 $0x1;
	[bflag:$0x0] =	sbarrier.arrive $0xFFFF  }
0x4c: {  	s31 =	simm.s32 $0x2;
	[sflag:s1] =	ssyncpa.u1 $0x1  }
0x4d: {  	[sflag:s31] =	ssyncpa.u1 $0x1  }
0x4e: {  	p0 =	sne.s32 s0, $0x0;
	_ =	strace $0x90000047  }
0x4f: {  	s0 =	sadd.s32 @!p0 $0x100000, s3;
	[bflag:$0x2] =	sbarrier.arrive $0xFFFF  }
0x50: {  	[sflag:s0] =	ssyncadd.tile.s32 @!p0 $0x1;
	_ =	shalt  }
.Lfunc_end1:
_tile_overlayer_lowered:
.L_overlay_start_2:
0x51: {  	(tag) =	ssettag $0x2  }
0x52: {  	s0 =	rddreg [dreg:$0x0];
	s2 =	stileid.u32  }
0x53: {  	s1 =	rddreg [dreg:$0x1];
	p0 =	sne.s32 s2, $0x0  }
0x54: {  	s3 =	rddreg [dreg:$0x2];
	[bflag:$0x3] =	sbarrier.arrive $0xFFFF;
	s2 =	simm.s32 @!p0 $0x1C01  }
0x55: {  	[timem:s3], [sflag:s2] =	dma.local @!p0 [hbm:s0], s1  }
0x56: {  	s0 =	simm.s32 @!p0 $0x1  }
0x57: {  	_ =	swait.ge @!p0 [sflag:s0], s1  }
0x58: {  	s1 =	ssub.s32 @!p0 $0x0, s1;
	[sflag:s0] =	ssyncset.done @!p0 $0x0  }
0x59: {  	[sflag:s0] =	ssyncadd.s32 @!p0 s1  }
0x5a: {  	[bflag:$0x3] =	sbarrier.arrive $0xFFFF  }
0x5b: {  	_ =	shalt  }

</sc_bundles>
